<compile_context>
chip_gen: v7x
topology: tpu7x:2x2x1
jax: 0.10.2.dev20260603
libtpu: 0.0.44.dev20260713+nightly
codegen_flags: <defaults>
</compile_context>

<pallas_src>
import functools

import jax
import jax.numpy as jnp
from jax import lax
from jax.experimental import pallas as pl
from jax.experimental.pallas import tpu as pltpu
from jax.experimental.pallas import tpu_sc as plsc

EMB = 64
REPR = 32
NREL = 64


def _sc_gather(idx2d, node_emb, n_rows):
    nw, n_ch, ch = idx2d.shape
    info = plsc.get_sparse_core_info()
    mesh = plsc.VectorSubcoreMesh(core_axis_name="c", subcore_axis_name="s")
    per_w = n_ch * ch

    @functools.partial(
        pl.kernel,
        out_type=jax.ShapeDtypeStruct((n_rows, EMB), jnp.float32),
        mesh=mesh,
        scratch_types=[
            pltpu.VMEM((n_ch, ch), jnp.int32),
            pltpu.VMEM((ch, EMB), jnp.float32),
            pltpu.VMEM((ch, EMB), jnp.float32),
            pltpu.SemaphoreType.DMA,
            pltpu.SemaphoreType.DMA,
        ],
        compiler_params=pltpu.CompilerParams(use_tc_tiling_on_sc=False),
    )
    def k(idx_hbm, table_hbm, out_hbm, idx_v, rows0, rows1, sem0, sem1):
        wid = lax.axis_index("s") * info.num_cores + lax.axis_index("c")
        pltpu.sync_copy(idx_hbm.at[wid], idx_v)
        base = wid * per_w

        pltpu.async_copy(table_hbm.at[idx_v.at[0]], rows0, sem0)

        def body(c2, carry):
            c = c2 * 2
            pltpu.async_copy(table_hbm.at[idx_v.at[c + 1]], rows1, sem1)
            pltpu.make_async_copy(
                table_hbm.at[idx_v.at[c]], rows0, sem0).wait()
            pltpu.sync_copy(rows0, out_hbm.at[pl.ds(base + c * ch, ch)])

            @pl.when(c2 + 1 < n_ch // 2)
            def _():
                pltpu.async_copy(table_hbm.at[idx_v.at[c + 2]], rows0, sem0)

            pltpu.make_async_copy(
                table_hbm.at[idx_v.at[c + 1]], rows1, sem1).wait()
            pltpu.sync_copy(rows1, out_hbm.at[pl.ds(base + (c + 1) * ch, ch)])
            return carry

        lax.fori_loop(0, n_ch // 2, body, 0)

    return k(idx2d, node_emb)


def _tc_loss_sum(x2, r_col, waug, block_e):
    e_total = x2.shape[0]
    nblk = e_total // block_e
    ncol = NREL * REPR

    def body(x_ref, r_ref, w_ref, out_ref):
        i = pl.program_id(0)
        x = x_ref[...]
        d = x[:, :EMB] - x[:, EMB:]
        r = r_ref[...]
        oh = (lax.broadcasted_iota(jnp.int32, (block_e, NREL), 1) == r)
        dp = jnp.concatenate(
            [d.astype(jnp.bfloat16), oh.astype(jnp.bfloat16)], axis=1)
        t = jnp.dot(dp, w_ref[...], preferred_element_type=jnp.float32)
        colrel = lax.shift_right_logical(
            lax.broadcasted_iota(jnp.int32, (block_e, ncol), 1), 5)
        sel = jnp.where(colrel == r, t, 0.0)
        s = jnp.sum(sel * sel)

        @pl.when(i == 0)
        def _():
            out_ref[...] = jnp.zeros_like(out_ref)

        out_ref[...] += s

    out = pl.pallas_call(
        body,
        grid=(nblk,),
        in_specs=[
            pl.BlockSpec((block_e, 2 * EMB), lambda i: (i, 0)),
            pl.BlockSpec((block_e, 1), lambda i: (i, 0)),
            pl.BlockSpec((2 * EMB, ncol), lambda i: (0, 0)),
        ],
        out_specs=pl.BlockSpec((1, 1), lambda i: (0, 0)),
        out_shape=jax.ShapeDtypeStruct((1, 1), jnp.float32),
    )(x2, r_col, waug)
    return out[0, 0]


def kernel(edge_index_t, edge_attr, node_emb, r_emb_w, r_proj_w):
    e_total = edge_index_t.shape[0]
    n_rows = 2 * e_total

    nw, ch = 32, 128
    n_ch = n_rows // (nw * ch)
    idx2d = edge_index_t.reshape(nw, n_ch, ch)

    x = _sc_gather(idx2d, node_emb, n_rows)
    x2 = x.reshape(e_total, 2 * EMB)

    wt = r_proj_w.reshape(NREL, EMB, REPR).transpose(1, 0, 2).reshape(
        EMB, NREL * REPR)
    wtile = jnp.broadcast_to(r_emb_w[:, None, :], (NREL, NREL, REPR)).reshape(
        NREL, NREL * REPR)
    waug = jnp.concatenate([wt, wtile], axis=0).astype(jnp.bfloat16)

    r_col = edge_attr[:, 1:2]

    total = _tc_loss_sum(x2, r_col, waug, block_e=512)
    return total / jnp.float32(e_total * REPR)

# --- scband reference (transcript-rebuilt; emitter-appended) ---
"""Pipeline reference for scband-ex-kgnet-7172595384417 (READ-ONLY COPY).

The authoritative reference and input builder live on the scoring server;
editing this copy changes nothing except your own understanding.
"""

import jax, jax.numpy as jnp
import numpy as np

EMB_DIM = 64
REPR_DIM = 32
NUM_NODES = 100000
NUM_RELATIONS = 64
N_EDGES = 65536


def setup_inputs(seed: int = 0) -> dict:
    key = jax.random.key(seed)
    k1, k2, k3, k4, k5 = jax.random.split(key, 5)
    edge_index_t = jax.random.randint(k1, (N_EDGES, 2), 0, NUM_NODES, dtype=jnp.int64 if jax.config.jax_enable_x64 else jnp.int32).astype(jnp.int32)
    edge_attr = jax.random.randint(k2, (N_EDGES, 2), 0, NUM_RELATIONS, dtype=jnp.int32)
    node_emb = jax.random.normal(k3, (NUM_NODES, EMB_DIM), dtype=jnp.float32)
    r_emb_w = jax.random.normal(k4, (NUM_RELATIONS, REPR_DIM), dtype=jnp.float32)
    r_proj_w = jax.random.normal(k5, (NUM_RELATIONS, EMB_DIM * REPR_DIM), dtype=jnp.float32)
    return {
        "edge_index_t": edge_index_t,
        "edge_attr": edge_attr,
        "node_emb": node_emb,
        "r_emb_w": r_emb_w,
        "r_proj_w": r_proj_w,
    }


def reference(edge_index_t, edge_attr, node_emb, r_emb_w, r_proj_w):
    # Faithful translation of ExKGNet.get_kg_loss.
    # NOTE: the torch module accesses .weight directly, so Embedding max_norm
    # renormalization is NOT triggered; plain table gathers are correct.
    r_idx = edge_attr[:, 1]
    r_emb = jnp.take(r_emb_w, r_idx, axis=0)                          # [E, repr_dim]
    r_proj = jnp.take(r_proj_w, r_idx, axis=0).reshape(-1, EMB_DIM, REPR_DIM)  # [E, emb, repr]
    head = jnp.take(node_emb, edge_index_t[:, :1], axis=0)            # [E, 1, emb]
    tail = jnp.take(node_emb, edge_index_t[:, 1:2], axis=0)           # [E, 1, emb]
    proj_head = jnp.matmul(head, r_proj).reshape(-1, REPR_DIM)        # [E, repr]
    proj_tail = jnp.matmul(tail, r_proj).reshape(-1, REPR_DIM)        # [E, repr]
    est_tail = proj_head + r_emb
    loss_t = jnp.mean((est_tail - proj_tail) ** 2)
    return loss_t

if __name__ == "__main__":
    import jax
    _d = setup_inputs()
    print(jax.jit(kernel)(*tuple(_d.values())))

</pallas_src>

<mosaic_0001>
#map = affine_map<(d0, d1) -> (0, 0, 0)>
#map1 = affine_map<(d0, d1) -> (0, 0)>
module attributes {stable_mosaic.version = 14 : i64} {
  func.func @k(%arg0: i32, %arg1: i32, %arg2: memref<32x32x128xi32, #tpu.memory_space<hbm>>, %arg3: memref<100000x64xf32, #tpu.memory_space<hbm>>, %arg4: memref<131072x64xf32, #tpu.memory_space<hbm>>, %arg5: memref<32x128xi32, #tpu.memory_space<vmem>>, %arg6: memref<128x64xf32, #tpu.memory_space<vmem>>, %arg7: memref<128x64xf32, #tpu.memory_space<vmem>>, %arg8: memref<!tpu.dma_semaphore, #tpu.memory_space<semaphore_mem>>, %arg9: memref<!tpu.dma_semaphore, #tpu.memory_space<semaphore_mem>>) attributes {dimension_semantics = [#tpu.dimension_semantics<core_parallel>, #tpu.dimension_semantics<subcore_parallel>], iteration_bounds = array<i64: 2, 16>, scalar_prefetch = 0 : i64, scratch_operands = 5 : i64, tpu.core_type = #tpu.core_type<sc_vector_subcore>, window_params = [{transform_indices = #map}, {transform_indices = #map1}, {transform_indices = #map1}]} {
    %mul3A = arith.constant 2 : i32
    %mul3A_0 = arith.muli %arg1, %mul3A : i32
    %add3A = arith.addi %mul3A_0, %arg0 : i32
    "tpu.region"() ({
      %run_scoped3A = tpu.sem_alloc : memref<!tpu.dma_semaphore, #tpu.memory_space<semaphore_mem>>
      %dma_start3A_14 = arith.constant 0 : i32
      %dma_start3A_15 = arith.constant 0 : i32
      %dma_start3A_16 = tpu.memref_slice %arg2[%add3A, %dma_start3A_14, %dma_start3A_15] : memref<32x32x128xi32, #tpu.memory_space<hbm>> -> memref<1x32x128xi32, #tpu.memory_space<hbm>>
      %dma_start3A_17 = tpu.memref_squeeze %dma_start3A_16 : memref<1x32x128xi32, #tpu.memory_space<hbm>> -> memref<32x128xi32, #tpu.memory_space<hbm>>
      %dma_start3A_18 = arith.constant 0 : i32
      %dma_start3A_19 = arith.constant 0 : i32
      %dma_start3A_20 = tpu.memref_slice %arg2[%add3A, %dma_start3A_18, %dma_start3A_19] : memref<32x32x128xi32, #tpu.memory_space<hbm>> -> memref<1x32x128xi32, #tpu.memory_space<hbm>>
      %dma_start3A_21 = tpu.memref_squeeze %dma_start3A_20 : memref<1x32x128xi32, #tpu.memory_space<hbm>> -> memref<32x128xi32, #tpu.memory_space<hbm>>
      tpu.enqueue_dma source(%dma_start3A_21 : memref<32x128xi32, #tpu.memory_space<hbm>>) target(%arg5 : memref<32x128xi32, #tpu.memory_space<vmem>>) target_semaphore(%run_scoped3A : memref<!tpu.dma_semaphore, #tpu.memory_space<semaphore_mem>>)
      %dma_wait3A = arith.constant 0 : i32
      %dma_wait3A_22 = arith.constant 0 : i32
      %dma_wait3A_23 = tpu.memref_slice %arg2[%add3A, %dma_wait3A, %dma_wait3A_22] : memref<32x32x128xi32, #tpu.memory_space<hbm>> -> memref<1x32x128xi32, #tpu.memory_space<hbm>>
      %dma_wait3A_24 = tpu.memref_squeeze %dma_wait3A_23 : memref<1x32x128xi32, #tpu.memory_space<hbm>> -> memref<32x128xi32, #tpu.memory_space<hbm>>
      %dma_wait3A_25 = arith.constant 0 : i32
      %dma_wait3A_26 = arith.constant 0 : i32
      %dma_wait3A_27 = tpu.memref_slice %arg2[%add3A, %dma_wait3A_25, %dma_wait3A_26] : memref<32x32x128xi32, #tpu.memory_space<hbm>> -> memref<1x32x128xi32, #tpu.memory_space<hbm>>
      %dma_wait3A_28 = tpu.memref_squeeze %dma_wait3A_27 : memref<1x32x128xi32, #tpu.memory_space<hbm>> -> memref<32x128xi32, #tpu.memory_space<hbm>>
      tpu.wait_dma2 semaphore(%run_scoped3A : memref<!tpu.dma_semaphore, #tpu.memory_space<semaphore_mem>>) src(%dma_wait3A_28 : memref<32x128xi32, #tpu.memory_space<hbm>>) dst(%arg5 : memref<32x128xi32, #tpu.memory_space<vmem>>)
      tpu.yield
    }) : () -> ()
    %mul3A_1 = arith.constant 4096 : i32
    %mul3A_2 = arith.muli %add3A, %mul3A_1 : i32
    %dma_start3A = arith.constant 0 : i32
    %dma_start3A_3 = arith.constant 0 : i32
    %dma_start3A_4 = tpu.memref_slice %arg5[%dma_start3A, %dma_start3A_3] : memref<32x128xi32, #tpu.memory_space<vmem>> -> memref<1x128xi32, #tpu.memory_space<vmem>>
    %dma_start3A_5 = tpu.memref_squeeze %dma_start3A_4 : memref<1x128xi32, #tpu.memory_space<vmem>> -> memref<128xi32, #tpu.memory_space<vmem>>
    %dma_start3A_6 = arith.constant 0 : i32
    %dma_start3A_7 = arith.constant 0 : i32
    %dma_start3A_8 = tpu.memref_slice %arg3[%dma_start3A_6, %dma_start3A_7] : memref<100000x64xf32, #tpu.memory_space<hbm>> -> memref<100000x64xf32, #tpu.memory_space<hbm>>
    tpu.enqueue_indirect_dma source(%dma_start3A_8 : memref<100000x64xf32, #tpu.memory_space<hbm>>) target(%arg6 : memref<128x64xf32, #tpu.memory_space<vmem>>) offsets(%dma_start3A_5 : memref<128xi32, #tpu.memory_space<vmem>>) semaphore(%arg8 : memref<!tpu.dma_semaphore, #tpu.memory_space<semaphore_mem>>)
    %scan3A = arith.constant 0 : i32
    %scan3A_9 = arith.constant 0 : i32
    %scan3A_10 = arith.constant 16 : i32
    %scan3A_11 = arith.addi %scan3A_9, %scan3A_10 : i32
    %scan3A_12 = arith.constant 1 : i32
    scf.for %scan3A_14 = %scan3A_9 to %scan3A_11 step %scan3A_12  : i32 {
      %mul3A_15 = arith.constant 2 : i32
      %mul3A_16 = arith.muli %scan3A_14, %mul3A_15 : i32
      %add3A_17 = arith.constant 1 : i32
      %add3A_18 = arith.addi %mul3A_16, %add3A_17 : i32
      %dma_start3A_19 = arith.constant 0 : i32
      %dma_start3A_20 = tpu.memref_slice %arg5[%add3A_18, %dma_start3A_19] : memref<32x128xi32, #tpu.memory_space<vmem>> -> memref<1x128xi32, #tpu.memory_space<vmem>>
      %dma_start3A_21 = tpu.memref_squeeze %dma_start3A_20 : memref<1x128xi32, #tpu.memory_space<vmem>> -> memref<128xi32, #tpu.memory_space<vmem>>
      %dma_start3A_22 = arith.constant 0 : i32
      %dma_start3A_23 = arith.constant 0 : i32
      %dma_start3A_24 = tpu.memref_slice %arg3[%dma_start3A_22, %dma_start3A_23] : memref<100000x64xf32, #tpu.memory_space<hbm>> -> memref<100000x64xf32, #tpu.memory_space<hbm>>
      tpu.enqueue_indirect_dma source(%dma_start3A_24 : memref<100000x64xf32, #tpu.memory_space<hbm>>) target(%arg7 : memref<128x64xf32, #tpu.memory_space<vmem>>) offsets(%dma_start3A_21 : memref<128xi32, #tpu.memory_space<vmem>>) semaphore(%arg9 : memref<!tpu.dma_semaphore, #tpu.memory_space<semaphore_mem>>)
      %dma_wait3A = arith.constant 0 : i32
      %dma_wait3A_25 = tpu.memref_slice %arg5[%mul3A_16, %dma_wait3A] : memref<32x128xi32, #tpu.memory_space<vmem>> -> memref<1x128xi32, #tpu.memory_space<vmem>>
      %dma_wait3A_26 = tpu.memref_squeeze %dma_wait3A_25 : memref<1x128xi32, #tpu.memory_space<vmem>> -> memref<128xi32, #tpu.memory_space<vmem>>
      %dma_wait3A_27 = arith.constant 0 : i32
      %dma_wait3A_28 = arith.constant 0 : i32
      %dma_wait3A_29 = tpu.memref_slice %arg3[%dma_wait3A_27, %dma_wait3A_28] : memref<100000x64xf32, #tpu.memory_space<hbm>> -> memref<100000x64xf32, #tpu.memory_space<hbm>>
      tpu.wait_indirect_dma semaphore(%arg8 : memref<!tpu.dma_semaphore, #tpu.memory_space<semaphore_mem>>) src(%dma_wait3A_29 : memref<100000x64xf32, #tpu.memory_space<hbm>>) dst(%arg6 : memref<128x64xf32, #tpu.memory_space<vmem>>)
      %mul3A_30 = arith.constant 128 : i32
      %mul3A_31 = arith.muli %mul3A_16, %mul3A_30 : i32
      %add3A_32 = arith.addi %mul3A_2, %mul3A_31 : i32
      "tpu.region"() ({
        %run_scoped3A = tpu.sem_alloc : memref<!tpu.dma_semaphore, #tpu.memory_space<semaphore_mem>>
        %dma_start3A_50 = arith.constant 0 : i32
        %dma_start3A_51 = tpu.memref_slice %arg4[%add3A_32, %dma_start3A_50] : memref<131072x64xf32, #tpu.memory_space<hbm>> -> memref<128x64xf32, #tpu.memory_space<hbm>>
        %dma_start3A_52 = arith.constant 0 : i32
        %dma_start3A_53 = tpu.memref_slice %arg4[%add3A_32, %dma_start3A_52] : memref<131072x64xf32, #tpu.memory_space<hbm>> -> memref<128x64xf32, #tpu.memory_space<hbm>>
        tpu.enqueue_dma source(%arg6 : memref<128x64xf32, #tpu.memory_space<vmem>>) target(%dma_start3A_53 : memref<128x64xf32, #tpu.memory_space<hbm>>) target_semaphore(%run_scoped3A : memref<!tpu.dma_semaphore, #tpu.memory_space<semaphore_mem>>)
        %dma_wait3A_54 = arith.constant 0 : i32
        %dma_wait3A_55 = tpu.memref_slice %arg4[%add3A_32, %dma_wait3A_54] : memref<131072x64xf32, #tpu.memory_space<hbm>> -> memref<128x64xf32, #tpu.memory_space<hbm>>
        %dma_wait3A_56 = arith.constant 0 : i32
        %dma_wait3A_57 = tpu.memref_slice %arg4[%add3A_32, %dma_wait3A_56] : memref<131072x64xf32, #tpu.memory_space<hbm>> -> memref<128x64xf32, #tpu.memory_space<hbm>>
        tpu.wait_dma2 semaphore(%run_scoped3A : memref<!tpu.dma_semaphore, #tpu.memory_space<semaphore_mem>>) src(%arg6 : memref<128x64xf32, #tpu.memory_space<vmem>>) dst(%dma_wait3A_57 : memref<128x64xf32, #tpu.memory_space<hbm>>)
        tpu.yield
      }) : () -> ()
      %add3A_33 = arith.constant 1 : i32
      %add3A_34 = arith.addi %scan3A_14, %add3A_33 : i32
      %lt3A = arith.constant 16 : i32
      %lt3A_35 = arith.cmpi slt, %add3A_34, %lt3A : i32
      %convert_element_type3A = arith.extui %lt3A_35 : i1 to i32
      %cond3A = arith.constant 0 : i32
      %cond3A_36 = arith.cmpi ne, %convert_element_type3A, %cond3A : i32
      scf.if %cond3A_36 {
        %add3A_50 = arith.constant 2 : i32
        %add3A_51 = arith.addi %mul3A_16, %add3A_50 : i32
        %dma_start3A_52 = arith.constant 0 : i32
        %dma_start3A_53 = tpu.memref_slice %arg5[%add3A_51, %dma_start3A_52] : memref<32x128xi32, #tpu.memory_space<vmem>> -> memref<1x128xi32, #tpu.memory_space<vmem>>
        %dma_start3A_54 = tpu.memref_squeeze %dma_start3A_53 : memref<1x128xi32, #tpu.memory_space<vmem>> -> memref<128xi32, #tpu.memory_space<vmem>>
        %dma_start3A_55 = arith.constant 0 : i32
        %dma_start3A_56 = arith.constant 0 : i32
        %dma_start3A_57 = tpu.memref_slice %arg3[%dma_start3A_55, %dma_start3A_56] : memref<100000x64xf32, #tpu.memory_space<hbm>> -> memref<100000x64xf32, #tpu.memory_space<hbm>>
        tpu.enqueue_indirect_dma source(%dma_start3A_57 : memref<100000x64xf32, #tpu.memory_space<hbm>>) target(%arg6 : memref<128x64xf32, #tpu.memory_space<vmem>>) offsets(%dma_start3A_54 : memref<128xi32, #tpu.memory_space<vmem>>) semaphore(%arg8 : memref<!tpu.dma_semaphore, #tpu.memory_space<semaphore_mem>>)
      } else {
      }
      %add3A_37 = arith.constant 1 : i32
      %add3A_38 = arith.addi %mul3A_16, %add3A_37 : i32
      %dma_wait3A_39 = arith.constant 0 : i32
      %dma_wait3A_40 = tpu.memref_slice %arg5[%add3A_38, %dma_wait3A_39] : memref<32x128xi32, #tpu.memory_space<vmem>> -> memref<1x128xi32, #tpu.memory_space<vmem>>
      %dma_wait3A_41 = tpu.memref_squeeze %dma_wait3A_40 : memref<1x128xi32, #tpu.memory_space<vmem>> -> memref<128xi32, #tpu.memory_space<vmem>>
      %dma_wait3A_42 = arith.constant 0 : i32
      %dma_wait3A_43 = arith.constant 0 : i32
      %dma_wait3A_44 = tpu.memref_slice %arg3[%dma_wait3A_42, %dma_wait3A_43] : memref<100000x64xf32, #tpu.memory_space<hbm>> -> memref<100000x64xf32, #tpu.memory_space<hbm>>
      tpu.wait_indirect_dma semaphore(%arg9 : memref<!tpu.dma_semaphore, #tpu.memory_space<semaphore_mem>>) src(%dma_wait3A_44 : memref<100000x64xf32, #tpu.memory_space<hbm>>) dst(%arg7 : memref<128x64xf32, #tpu.memory_space<vmem>>)
      %add3A_45 = arith.constant 1 : i32
      %add3A_46 = arith.addi %mul3A_16, %add3A_45 : i32
      %mul3A_47 = arith.constant 128 : i32
      %mul3A_48 = arith.muli %add3A_46, %mul3A_47 : i32
      %add3A_49 = arith.addi %mul3A_2, %mul3A_48 : i32
      "tpu.region"() ({
        %run_scoped3A = tpu.sem_alloc : memref<!tpu.dma_semaphore, #tpu.memory_space<semaphore_mem>>
        %dma_start3A_50 = arith.constant 0 : i32
        %dma_start3A_51 = tpu.memref_slice %arg4[%add3A_49, %dma_start3A_50] : memref<131072x64xf32, #tpu.memory_space<hbm>> -> memref<128x64xf32, #tpu.memory_space<hbm>>
        %dma_start3A_52 = arith.constant 0 : i32
        %dma_start3A_53 = tpu.memref_slice %arg4[%add3A_49, %dma_start3A_52] : memref<131072x64xf32, #tpu.memory_space<hbm>> -> memref<128x64xf32, #tpu.memory_space<hbm>>
        tpu.enqueue_dma source(%arg7 : memref<128x64xf32, #tpu.memory_space<vmem>>) target(%dma_start3A_53 : memref<128x64xf32, #tpu.memory_space<hbm>>) target_semaphore(%run_scoped3A : memref<!tpu.dma_semaphore, #tpu.memory_space<semaphore_mem>>)
        %dma_wait3A_54 = arith.constant 0 : i32
        %dma_wait3A_55 = tpu.memref_slice %arg4[%add3A_49, %dma_wait3A_54] : memref<131072x64xf32, #tpu.memory_space<hbm>> -> memref<128x64xf32, #tpu.memory_space<hbm>>
        %dma_wait3A_56 = arith.constant 0 : i32
        %dma_wait3A_57 = tpu.memref_slice %arg4[%add3A_49, %dma_wait3A_56] : memref<131072x64xf32, #tpu.memory_space<hbm>> -> memref<128x64xf32, #tpu.memory_space<hbm>>
        tpu.wait_dma2 semaphore(%run_scoped3A : memref<!tpu.dma_semaphore, #tpu.memory_space<semaphore_mem>>) src(%arg7 : memref<128x64xf32, #tpu.memory_space<vmem>>) dst(%dma_wait3A_57 : memref<128x64xf32, #tpu.memory_space<hbm>>)
        tpu.yield
      }) : () -> ()
    }
    %scan3A_13 = arith.constant 16 : i32
    return
  }
}

module attributes {stable_mosaic.version = 14 : i64} {
  func.func @body(%arg0: i32, %arg1: memref<512x128xf32, #tpu.memory_space<vmem>>, %arg2: memref<512x1xi32, #tpu.memory_space<vmem>>, %arg3: memref<128x2048xbf16, #tpu.memory_space<vmem>>, %arg4: memref<1x1xf32, #tpu.memory_space<vmem>>) attributes {dimension_semantics = [#tpu.dimension_semantics<arbitrary>], iteration_bounds = array<i64: 128>, scalar_prefetch = 0 : i64, scratch_operands = 0 : i64, tpu.core_type = #tpu.core_type<tc>, window_params = [{transform_indices = @transform_0, window_bounds = array<i64: 512, 128>}, {transform_indices = @transform_1, window_bounds = array<i64: 512, 1>}, {pipeline_mode = #tpu.pipeline_mode<synchronous>, transform_indices = @transform_2, window_bounds = array<i64: 128, 2048>}, {pipeline_mode = #tpu.pipeline_mode<synchronous>, transform_indices = @transform_3, window_bounds = array<i64: 1, 1>}]} {
    %get3A = arith.constant 0 : index
    %get3A_0 = arith.constant 0 : index
    %get3A_1 = vector.load %arg1[%get3A, %get3A_0] : memref<512x128xf32, #tpu.memory_space<vmem>>, vector<512x128xf32>
    %slice3A = vector.extract_strided_slice %get3A_1 {offsets = [0, 0], sizes = [512, 64], strides = [1, 1]} : vector<512x128xf32> to vector<512x64xf32>
    %slice3A_2 = vector.extract_strided_slice %get3A_1 {offsets = [0, 64], sizes = [512, 64], strides = [1, 1]} : vector<512x128xf32> to vector<512x64xf32>
    %sub3A = arith.subf %slice3A, %slice3A_2 : vector<512x64xf32>
    %get3A_3 = arith.constant 0 : index
    %get3A_4 = arith.constant 0 : index
    %get3A_5 = vector.load %arg2[%get3A_3, %get3A_4] : memref<512x1xi32, #tpu.memory_space<vmem>>, vector<512x1xi32>
    %iota3A = tpu.iota {dimensions = array<i32: 1>} : vector<512x64xi32>
    %eq3A = vector.broadcast %get3A_5 : vector<512x1xi32> to vector<512x64xi32>
    %eq3A_6 = arith.cmpi eq, %iota3A, %eq3A : vector<512x64xi32>
    %convert_element_type3A = arith.truncf %sub3A : vector<512x64xf32> to vector<512x64xbf16>
    %convert_element_type3A_7 = arith.extui %eq3A_6 : vector<512x64xi1> to vector<512x64xi32>
    %convert_element_type3A_8 = arith.sitofp %convert_element_type3A_7 : vector<512x64xi32> to vector<512x64xf32>
    %convert_element_type3A_9 = arith.truncf %convert_element_type3A_8 : vector<512x64xf32> to vector<512x64xbf16>
    %concatenate3A = tpu.concatenate %convert_element_type3A, %convert_element_type3A_9 in 1 : vector<512x64xbf16>, vector<512x64xbf16> -> vector<512x128xbf16>
    %get3A_10 = arith.constant 0 : index
    %get3A_11 = arith.constant 0 : index
    %get3A_12 = vector.load %arg3[%get3A_10, %get3A_11] : memref<128x2048xbf16, #tpu.memory_space<vmem>>, vector<128x2048xbf16>
    %dot_general3A = arith.constant dense<0.000000e+00> : vector<512x2048xf32>
    %dot_general3A_13 = tpu.matmul %concatenate3A, %get3A_12, %dot_general3A {dimension_numbers = #tpu.dot_dimension_numbers<[1], [0], [0], [1], [0, 0, 1, 1], [], []>, transpose_lhs_hint = false} : vector<512x128xbf16>, vector<128x2048xbf16>, vector<512x2048xf32> -> vector<512x2048xf32>
    %iota3A_14 = tpu.iota {dimensions = array<i32: 1>} : vector<512x2048xi32>
    %shift_right_logical3A = arith.constant 5 : i32
    %shift_right_logical3A_15 = vector.broadcast %shift_right_logical3A : i32 to vector<512x2048xi32>
    %shift_right_logical3A_16 = arith.shrui %iota3A_14, %shift_right_logical3A_15 : vector<512x2048xi32>
    %eq3A_17 = vector.broadcast %get3A_5 : vector<512x1xi32> to vector<512x2048xi32>
    %eq3A_18 = arith.cmpi eq, %shift_right_logical3A_16, %eq3A_17 : vector<512x2048xi32>
    %jit3A = arith.constant 0.000000e+00 : f32
    %broadcast_in_dim3A = vector.broadcast %jit3A : f32 to vector<512x2048xf32>
    %select_n3A = arith.select %eq3A_18, %dot_general3A_13, %broadcast_in_dim3A : vector<512x2048xi1>, vector<512x2048xf32>
    %mul3A = arith.mulf %select_n3A, %select_n3A : vector<512x2048xf32>
    %reduce_sum3A = vector.shape_cast %mul3A : vector<512x2048xf32> to vector<1x512x2048xf32>
    %reduce_sum3A_19 = arith.constant dense<0.000000e+00> : vector<1xf32>
    %reduce_sum3A_20 = vector.multi_reduction <add>, %reduce_sum3A, %reduce_sum3A_19 [1, 2] : vector<1x512x2048xf32> to vector<1xf32>
    %reduce_sum3A_21 = vector.shape_cast %reduce_sum3A_20 : vector<1xf32> to vector<1x1x1xf32>
    %reduce_sum3A_22 = vector.extract %reduce_sum3A_21[0, 0, 0] : f32 from vector<1x1x1xf32>
    %eq3A_23 = arith.constant 0 : i32
    %eq3A_24 = arith.cmpi eq, %arg0, %eq3A_23 : i32
    %convert_element_type3A_25 = arith.extui %eq3A_24 : i1 to i32
    %cond3A = arith.constant 0 : i32
    %cond3A_26 = arith.cmpi ne, %convert_element_type3A_25, %cond3A : i32
    scf.if %cond3A_26 {
      %broadcast_in_dim3A_33 = arith.constant 0.000000e+00 : f32
      %broadcast_in_dim3A_34 = vector.broadcast %broadcast_in_dim3A_33 : f32 to vector<1x1xf32>
      %swap3A_35 = arith.constant 0 : index
      %swap3A_36 = arith.constant 0 : index
      %swap3A_37 = vector.load %arg4[%swap3A_35, %swap3A_36] : memref<1x1xf32, #tpu.memory_space<vmem>>, vector<1x1xf32>
      tpu.vector_store %arg4[%swap3A_35, %swap3A_36], %broadcast_in_dim3A_34 {strides = array<i32>} : memref<1x1xf32, #tpu.memory_space<vmem>>, vector<1x1xf32>,
    } else {
    }
    %get3A_27 = arith.constant 0 : index
    %get3A_28 = arith.constant 0 : index
    %get3A_29 = vector.load %arg4[%get3A_27, %get3A_28] : memref<1x1xf32, #tpu.memory_space<vmem>>, vector<1x1xf32>
    %add3A = vector.broadcast %reduce_sum3A_22 : f32 to vector<1x1xf32>
    %add3A_30 = arith.addf %get3A_29, %add3A : vector<1x1xf32>
    %swap3A = arith.constant 0 : index
    %swap3A_31 = arith.constant 0 : index
    %swap3A_32 = vector.load %arg4[%swap3A, %swap3A_31] : memref<1x1xf32, #tpu.memory_space<vmem>>, vector<1x1xf32>
    tpu.vector_store %arg4[%swap3A, %swap3A_31], %add3A_30 {strides = array<i32>} : memref<1x1xf32, #tpu.memory_space<vmem>>, vector<1x1xf32>,
    return
  }
  func.func @transform_0(%arg0: i32) -> (i32, i32) {
    %c0_i32 = arith.constant 0 : i32
    %c0_i32_0 = arith.constant 0 : i32
    return %arg0, %c0_i32 : i32, i32
  }
  func.func @transform_1(%arg0: i32) -> (i32, i32) {
    %c0_i32 = arith.constant 0 : i32
    %c0_i32_0 = arith.constant 0 : i32
    return %arg0, %c0_i32 : i32, i32
  }
  func.func @transform_2(%arg0: i32) -> (i32, i32) {
    %c0_i32 = arith.constant 0 : i32
    %c0_i32_0 = arith.constant 0 : i32
    %c0_i32_1 = arith.constant 0 : i32
    return %c0_i32, %c0_i32_0 : i32, i32
  }
  func.func @transform_3(%arg0: i32) -> (i32, i32) {
    %c0_i32 = arith.constant 0 : i32
    %c0_i32_0 = arith.constant 0 : i32
    %c0_i32_1 = arith.constant 0 : i32
    return %c0_i32, %c0_i32_0 : i32, i32
  }
}

</mosaic_0001>

<sc_bundles>
// kernel: kernel.4.cloned.1.call-start
scs
__scs_entry_jumppad:
0x0: {  	(pc) =	sbr.rel $0x88, $3  }
0x1: {  	(tag) =	ssettag $0x0;
	lr =	simm.s32 $0x1  }
0x2: {  	[smem:$0x3F9C] =	sst lr;
	_ =	strace $0xD0000000  }
0x3: {  	_ = 	snop  }
0x4: {  	_ = 	snop  }
0x5: {  	_ = 	snop  }
0x6: {  	_ = 	snop  }
0x7: {  	_ = 	snop  }
__scs_overlays_trampoline_lowered:
0x8: {  	[smem:$0x3FAB] =	sst s0  }
0x9: {  	[smem:$0x3FAC] =	sst s1  }
0xa: {  	[smem:$0x3FAD] =	sst s2  }
0xb: {  	[smem:$0x3FAE] =	sst s3  }
0xc: {  	[smem:$0x3FAF] =	sst s4  }
0xd: {  	[smem:$0x3FB0] =	sst s5  }
0xe: {  	[smem:$0x3FB1] =	sst s6  }
0xf: {  	[smem:$0x3FB2] =	sst s7  }
0x10: {  	[smem:$0x3FB3] =	sst s8  }
0x11: {  	[smem:$0x3FB4] =	sst s9;
	s0 =	simm.s32 @!p0 $0x0  }
0x12: {  	s1 =	sld [smem:$0x3F9A];
	s0 =	simm.s32 @p0 $0x1  }
0x13: {  	[smem:$0x3FB5] =	sst s0;
	s0 =	simm.s32 @!p1 $0x0  }
0x14: {  	s2 =	sld [smem:$0x3F99];
	s0 =	simm.s32 @p1 $0x1  }
0x15: {  	[smem:$0x3FB6] =	sst s0;
	s0 =	simm.s32 @!p2 $0x0  }
0x16: {  	s3 =	sld [smem:$0x3FDB];
	s0 =	simm.s32 @p2 $0x1  }
0x17: {  	s4 =	simm.s32 $0x1BF5;
	[smem:$0x3FB8] =	sst s0  }
0x18: {  	s0 =	sld [smem:$0x3F9B];
	_ =	swait.ge [sflag:s4], $0x0  }
0x19: {  	s7 =	sld [smem:$0x3F9C]  }
0x1a: {  	s8 =	sadd.s32 $0xFFFFE003, lr  }
0x1b: {  	s9 =	sadd.s32 $0xFFFFFEF7, lr;
	s5 =	simm.s32 $0xFFFFFFFF;
	p2 =	slt.u32 s8, $0xFFFFF086  }
0x1c: {  	p1 =	slt.u32 s9, $0xF7A;
	s5 =	simm.s32 @!p2 $0x0  }
0x1d: {  	s5 =	simm.s32 @p1 $0x1;
	p0 =	seq.s32 s7, s2  }
0x1e: {  	s7 =	smul.u32 @!p0 $0xF7A, s2;
	p2 =	seq.s32 @!p0 s5, $0x0  }
0x1f: {  	s9 =	smul.u32 $0xF7A, s1;
	s8 =	simm.s32 @!p0 $0x1BF5;
	p2 =	por !p2, p0  }
0x20: {  	[sflag:s8] =	ssyncset.s32 @!p0 $0xFFFFF086;
	s6 =	sadd.s32 @!p0 s3, s7;
	s7 =	simm.s32 @!p0 $0x108  }
0x21: {  	s3 =	sadd.s32 s3, s9;
	s6 =	sadd.s32 @!p0 $0x88, s6;
	s7 =	simm.s32 @p2 $0x1082  }
0x22: {  	[simem:s7], [sflag:s8] =	dma.local @!p0 [hbm:s6], $0xF7A  }
0x23: {  	s9 =	sor.u32 $0xD0000000, s2;
	s6 =	simm.s32 $0x108;
	_ =	swait.ge @!p0 [sflag:s8], $0x0  }
0x24: {  	s3 =	sadd.s32 $0x88, s3;
	s6 =	simm.s32 @!p1 $0x1082;
	[sflag:s4] =	ssyncset.s32 $0xFFFFF086  }
0x25: {  	[simem:s6], [sflag:s4] =	dma.local [hbm:s3], $0xF7A  }
0x26: {  	[smem:$0x3F9C] =	sst s1;
	(tag) =	ssettag s2;
	_ =	strace s9  }
0x27: {  	s1 =	sld [smem:$0x3FAC]  }
0x28: {  	s2 =	sld [smem:$0x3FAD]  }
0x29: {  	s4 =	sld [smem:$0x3FAF]  }
0x2a: {  	p0 =	seq.s32 s5, $0x0;
	s5 =	sld [smem:$0x3FB0]  }
0x2b: {  	s6 =	sld [smem:$0x3FB1]  }
0x2c: {  	s7 =	sld [smem:$0x3FB2]  }
0x2d: {  	s3 =	simm.s32 $0x108;
	s8 =	sld [smem:$0x3FB3]  }
0x2e: {  	s3 =	simm.s32 @!p0 $0x1082;
	s9 =	sld [smem:$0x3FB4]  }
0x2f: {  	lr =	sadd.s32 s0, s3;
	s0 =	sld [smem:$0x3FAB]  }
0x30: {  	s3 =	sld [smem:$0x3FAE]  }
0x31: {  	[smem:$0x3FB7] =	sst s10  }
0x32: {  	s10 =	sld [smem:$0x3FB5];
	_ =	sdelay $0x3  }
0x33: {  	p0 =	seq.s32 s10, $0x1;
	s10 =	sld [smem:$0x3FB7];
	_ =	sdelay $0x3  }
0x34: {  	[smem:$0x3FB7] =	sst s10  }
0x35: {  	s10 =	sld [smem:$0x3FB6];
	_ =	sdelay $0x3  }
0x36: {  	p1 =	seq.s32 s10, $0x1;
	s10 =	sld [smem:$0x3FB7];
	_ =	sdelay $0x3  }
0x37: {  	[smem:$0x3FB7] =	sst s10  }
0x38: {  	s10 =	sld [smem:$0x3FB8]  }
0x39: {  	_ = 	snop;
	(pc) =	sbr.ind lr, $3  }
0x3a: {  	_ = 	snop  }
0x3b: {  	_ = 	snop  }
0x3c: {  	p2 =	seq.s32 s10, $0x1;
	s10 =	sld [smem:$0x3FB7]  }
0x3d: {  	_ =	shalt  }
0x3e: {  	_ =	shalt  }
0x3f: {  	_ =	shalt  }
0x40: {  	_ =	shalt  }
0x41: {  	_ =	shalt  }
0x42: {  	_ =	shalt  }
0x43: {  	_ =	shalt  }
0x44: {  	_ =	shalt  }
0x45: {  	_ =	shalt  }
0x46: {  	_ =	shalt  }
0x47: {  	_ =	shalt  }
0x48: {  	_ =	shalt  }
0x49: {  	_ =	shalt  }
0x4a: {  	_ =	shalt  }
0x4b: {  	_ =	shalt  }
0x4c: {  	_ =	shalt  }
0x4d: {  	_ =	shalt  }
0x4e: {  	_ =	shalt  }
0x4f: {  	_ =	shalt  }
0x50: {  	_ =	shalt  }
0x51: {  	_ =	shalt  }
0x52: {  	_ =	shalt  }
0x53: {  	_ =	shalt  }
0x54: {  	_ =	shalt  }
0x55: {  	_ =	shalt  }
0x56: {  	_ =	shalt  }
0x57: {  	_ =	shalt  }
0x58: {  	_ =	shalt  }
0x59: {  	_ =	shalt  }
0x5a: {  	_ =	shalt  }
0x5b: {  	_ =	shalt  }
0x5c: {  	_ =	shalt  }
0x5d: {  	_ =	shalt  }
0x5e: {  	_ =	shalt  }
0x5f: {  	_ =	shalt  }
0x60: {  	_ =	shalt  }
0x61: {  	_ =	shalt  }
0x62: {  	_ =	shalt  }
0x63: {  	_ =	shalt  }
0x64: {  	_ =	shalt  }
0x65: {  	_ =	shalt  }
0x66: {  	_ =	shalt  }
0x67: {  	_ =	shalt  }
0x68: {  	_ =	shalt  }
0x69: {  	_ =	shalt  }
0x6a: {  	_ =	shalt  }
0x6b: {  	_ =	shalt  }
0x6c: {  	_ =	shalt  }
0x6d: {  	_ =	shalt  }
0x6e: {  	_ =	shalt  }
0x6f: {  	_ =	shalt  }
0x70: {  	_ =	shalt  }
0x71: {  	_ =	shalt  }
0x72: {  	_ =	shalt  }
0x73: {  	_ =	shalt  }
0x74: {  	_ =	shalt  }
0x75: {  	_ =	shalt  }
0x76: {  	_ =	shalt  }
0x77: {  	_ =	shalt  }
0x78: {  	_ =	shalt  }
0x79: {  	_ =	shalt  }
0x7a: {  	_ =	shalt  }
0x7b: {  	_ =	shalt  }
0x7c: {  	_ =	shalt  }
0x7d: {  	_ =	shalt  }
0x7e: {  	_ =	shalt  }
0x7f: {  	_ =	shalt  }
0x80: {  	_ =	shalt  }
0x81: {  	_ =	shalt  }
0x82: {  	_ =	shalt  }
0x83: {  	_ =	shalt  }
0x84: {  	_ =	shalt  }
0x85: {  	_ =	shalt  }
0x86: {  	_ =	shalt  }
0x87: {  	_ =	shalt  }
.Lfunc_end0:
.L_simem_size_0:
called_computation_lowered:
.L_overlay_start_0:
0x88: {  	s2 =	sld [smem:$0x3FD9]  }
0x89: {  	s3 =	sld [smem:$0x3FFE];
	_ =	sdelay $0x1  }
0x8a: {  	s1 =	srdreg.scid  }
0x8b: {  	s0 =	sand.u32 $0x1, s1  }
0x8c: {  	s16 =	sshll.u32 s0, $0xA;
	s2 =	sadd.s32 s3, s2  }
0x8d: {  	s2 =	sadd.s32 s2, s16  }
0x8e: {  	[smem:$0x3FC3] =	sst s2  }
0x8f: {  	_ = 	snop  }
0x90: {  	(tm) =	ssettm $0x1  }
0x91: {  	s17 =	sld [smem:$0x3FFB];
	_ =	sdelay $0x3  }
0x92: {  	_ =	strace s17  }
0x93: {  	s2 =	sld [smem:$0x3FFC];
	_ =	sdelay $0x3  }
0x94: {  	_ =	strace s2  }
0x95: {  	s2 =	sld [smem:$0x3FFD];
	_ =	sdelay $0x3  }
0x96: {  	_ =	strace s2  }
0x97: {  	_ =	strace $0x8FFFFFFF  }
0x98: {  	s18 =	sld [smem:$0x3FDB];
	_ =	sdelay $0x1  }
0x99: {  	s19 =	simm.s32 $_scs_section_size  }
0x9a: {  	s4 =	simm.s32 $_size__tile_overlayer_lowered;
	s5 =	simm.s32 $_tile_overlayer_lowered  }
0x9b: {  	s22 =	simm.s32 $0x1BFF;
	s21 =	sshll.u32 s5, $0x1;
	s2 =	sadd.s32 s19, s18  }
0x9c: {  	s6 =	simm.s32 $0x0;
	s20 =	sshll.u32 s4, $0x1;
	s4 =	sadd.s32 s21, s2  }
0x9d: {  	[timem:s6], [sflag:s22] =	dma.local [hbm:s4], s20  }
0x9e: {  	_ =	swait.ge [sflag:s22], s20  }
0x9f: {  	s3 =	ssub.s32 $0x0, s20;
	[sflag:s22] =	ssyncset.done $0x0  }
0xa0: {  	[sflag:s22] =	ssyncadd.s32 s3;
	_ =	sdelay $0x1  }
0xa1: {  	s23 =	simm.s32 $0x1B8B  }
0xa2: {  	_ =	swait.ge [sflag:s23], $0x1  }
0xa3: {  	[sflag:s23] =	ssyncset.done $0x0  }
0xa4: {  	s25 =	simm.s32 $0x1B8E;
	s24 =	sld [smem:$0x3FFE];
	[sflag:s23] =	ssyncadd.s32 $0xFFFFFFFF  }
0xa5: {  	s26 =	simm.s32 $execute0_lowered;
	[smem:$0x3FD2] =	sst s25  }
0xa6: {  	s4 =	sshll.u32 s26, $0x1;
	_ =	strace $0x80000046;
	[dreg:$0x1] =	wrdreg $0xFFFFFFFF  }
0xa7: {  	s28 =	simm.s32 $_size_execute0_lowered;
	s2 =	sadd.s32 s2, s4;
	[dreg:$0x0] =	wrdreg $0x0  }
0xa8: {  	s4 =	sshll.u32 s28, $0x1;
	[dreg:$0x2] =	wrdreg s2  }
0xa9: {  	[dreg:$0x3] =	wrdreg s4  }
0xaa: {  	[dreg:$0x4] =	wrdreg $0xC0  }
0xab: {  	_ =	task [dreg:s6], $0x5FFFF  }
0xac: {  	[dreg:$0x1] =	wrdreg $0xFFFFFFFF  }
0xad: {  	[dreg:$0x0] =	wrdreg $0x60  }
0xae: {  	[dreg:$0x2] =	wrdreg s24  }
0xaf: {  	[dreg:$0x3] =	wrdreg $0x9  }
0xb0: {  	_ =	task.clear_ibuf [dreg:s6], $0x4FFFF;
	_ =	strace $0x90000046  }
0xb1: {  	s29 =	simm.s32 $0x9;
	_ =	strace $0x80000048  }
0xb2: {  	_ =	swait.ge [sflag:s29], $0x1  }
0xb3: {  	[sflag:s29] =	ssyncadd.s32 $0xFFFFFFFF  }
0xb4: {  	_ =	strace $0x90000048  }
0xb5: {  	_ =	sfence  }
0xb6: {  	s30 =	sld [smem:$0x0];
	_ =	sdelay $0x2  }
0xb7: {  	s31 =	sshll.u32 s1, $0xD;
	s1 =	sshrl.u32 s1, $0x2  }
0xb8: {  	s3 =	sand.u32 $0x4000, s31;
	s1 =	sadd.s32 s1, s30  }
0xb9: {  	s0 =	sor.u32 s3, s0;
	s1 =	sshll.u32 s1, $0x11  }
0xba: {  	s0 =	sor.u32 s1, s0  }
0xbb: {  	s0 =	sadd.s32 $0x8F2B, s0  }
0xbc: {  	[sflag:s0] =	ssyncadd.remote.s32 $0x1  }
0xbd: {  	_ =	sfence.sel $0xFFFF  }
0xbe: {  	[dreg:$0x0] =	wrdreg $0xFFFFFFFF;
	(pc) =	sbr.abs _section_cstart, $3  }
0xbf: {  	[dreg:$0x1] =	wrdreg $0xFFFFFFFF  }
0xc0: {  	_ =	task.clear_ibuf [dreg:s6], $0x2FFFF;
	_ =	strace $0x9FFFFFFF  }
0xc1: {  	(tm) =	ssettm $0x7FFFFFFF  }
tec
execute0_lowered:
.L_overlay_start_1:
0x0: {  	(tag) =	ssettag $0x1  }
0x1: {  	s4 =	rddreg [dreg:$0x0]  }
0x2: {  	s2 =	srdreg.scid;
	s0 =	rddreg [dreg:$0x1]  }
0x3: {  	s1 =	stileid.u32;
	s12 =	simm.s32 $0x3000;
	s13 =	simm.s32 $0x1  }
0x4: {  	s14 =	simm.s32 $0x2;
	s15 =	simm.s32 $0xF80;
	s16 =	simm.s32 $0x0  }
0x5: {  	s8 =	sand.u32 $0x1, s2;
	s2 =	simm.s32 $0x0;
	s3 =	sshll.u32 s1, $0xD  }
0x6: {  	s9 =	sadd.s32 $0xC00, s4;
	s11 =	sshll.u32 s1, $0x10;
	s5 =	sshll.u32 s8, $0xC  }
0x7: {  	[smem:$0x7FF] =	sst s2;
	s7 =	ssub.s32 $0x2, s8;
	s8 =	sshll.u32 s8, $0xF  }
0x8: {  	s5 =	sor.u32 s5, s3;
	_ =	strace $0x80000047;
	s31 =	sshrl.u32 s7, $0x1  }
0x9: {  	s3 =	sshrl.u32 s5, $0x3;
	s5 =	sshll.u32 s5, $0x3;
	s7 =	ssub.s32 s7, s31  }
0xa: {  	s6 =	sadd.s32 s3, s4;
	s3 =	sadd.s32 $0x187600, s4;
	s10 =	sadd.s32 s9, s5  }
0xb: {  	s5 =	smax.u32 s7, $0x1;
	s9 =	sadd.s32 s11, s9;
	s11 =	simm.s32 $0x1000  }
0xc: {  	s4 =	sadd.s32 $0x100C00, s6;
	s6 =	sadd.s32 $0x7800, s10;
	s7 =	sadd.s32 $0x7C00, s10  }
0xd: {  	s8 =	sadd.s32 s8, s9;
	s9 =	simm.s32 $0x3;
	s10 =	simm.s32 $0x80  }
.LBB2_1:
0xe: {  	[tilespmem:s2], [sflag:$0x3] =	stream.linear.gather [hbm4b:s4+s2], $0x1000, $0x38;
	[tilespmem:$0x5000] =	vst v63  }
0xf: {  	_ =	swait.ge [sflag:s9], $0x1000  }
0x10: {  	[sflag:s9] =	ssyncset.done $0x0  }
0x11: {  	[sflag:s9] =	ssyncadd.s32 $0xFFFFF000  }
0x12: {  	[tilespmem:s11], [sflag:$0x1] =	stream.indirect.gather [hbm4b:s3+s10], $0x40, s2, s10, $0xb8;
	[tilespmem:$0x5000] =	vst v63  }
0x13: {  	s17 =	simm.s32 $0x80  }
0x14: {  	[tilespmem:s12], [sflag:$0x2] =	stream.indirect.gather [hbm4b:s3+s10], $0x40, s17, s10, $0xb8;
	[tilespmem:$0x5000] =	vst v63  }
0x15: {  	_ =	swait.ge [sflag:s13], $0x2000  }
0x16: {  	[sflag:s13] =	ssyncset.done $0x0  }
0x17: {  	s31 =	sadd.s32 $0x0, s8;
	[sflag:s13] =	ssyncadd.s32 $0xFFFFE000  }
0x18: {  	[hbm4b:s31+s2] =	stream.linear.scatter [tilespmem:s11], [sflag:$0x3], $0x2000, $0x38;
	[tilespmem:$0x5000] =	vst v63  }
0x19: {  	_ =	swait.ge [sflag:s9], $0x2000  }
0x1a: {  	[sflag:s9] =	ssyncset.done $0x0  }
0x1b: {  	s18 =	simm.s32 $0x100;
	[sflag:s9] =	ssyncadd.s32 $0xFFFFE000  }
0x1c: {  	[tilespmem:s11], [sflag:$0x1] =	stream.indirect.gather [hbm4b:s3+s10], $0x40, s18, s10, $0xb8;
	[tilespmem:$0x5000] =	vst v63  }
0x1d: {  	_ =	swait.ge [sflag:s14], $0x2000  }
0x1e: {  	[sflag:s14] =	ssyncset.done $0x0  }
0x1f: {  	s17 =	sadd.s32 $0x400, s31;
	[sflag:s14] =	ssyncadd.s32 $0xFFFFE000  }
0x20: {  	[hbm4b:s17+s2] =	stream.linear.scatter [tilespmem:s12], [sflag:$0x3], $0x2000, $0x38;
	[tilespmem:$0x5000] =	vst v63  }
0x21: {  	s19 =	simm.s32 $0x1000;
	_ =	swait.ge [sflag:s9], $0x2000  }
0x22: {  	s18 =	simm.s32 $0x800;
	s17 =	simm.s32 $0x200;
	[sflag:s9] =	ssyncset.done $0x0  }
.LBB2_2:
0x23: {  	p0 =	sne.s32 s19, $0x7000;
	s20 =	sadd.s32 $0xFFFFFF80, s17;
	[sflag:s9] =	ssyncadd.s32 $0xFFFFE000  }
0x24: {  	[tilespmem:s12], [sflag:$0x2] =	stream.indirect.gather [hbm4b:s3+s10], $0x40, s20, s10, $0xb8;
	[tilespmem:$0x5000] =	vst v63  }
0x25: {  	s20 =	smov.u32 s19;
	s19 =	sadd.s32 $0x800, s19;
	_ =	swait.ge [sflag:s13], $0x2000  }
0x26: {  	[sflag:s13] =	ssyncset.done $0x0  }
0x27: {  	s21 =	sadd.s32 s18, s8;
	s18 =	smov.u32 s20;
	[sflag:s13] =	ssyncadd.s32 $0xFFFFE000  }
0x28: {  	[hbm4b:s21+s2] =	stream.linear.scatter [tilespmem:s11], [sflag:$0x3], $0x2000, $0x38;
	[tilespmem:$0x5000] =	vst v63  }
0x29: {  	_ =	swait.ge [sflag:s9], $0x2000  }
0x2a: {  	[sflag:s9] =	ssyncset.done $0x0  }
0x2b: {  	[sflag:s9] =	ssyncadd.s32 $0xFFFFE000  }
0x2c: {  	[tilespmem:s11], [sflag:$0x1] =	stream.indirect.gather [hbm4b:s3+s10], $0x40, s17, s10, $0xb8;
	[tilespmem:$0x5000] =	vst v63  }
0x2d: {  	_ =	swait.ge [sflag:s14], $0x2000  }
.Ltmp0:
0x2e: {  	[sflag:s14] =	ssyncset.done $0x0;
	(pc) =	sbr.rel @p0 .LBB2_2-.Ltmp0, $4  }
0x2f: {  	s20 =	sadd.s32 $0x400, s21;
	[sflag:s14] =	ssyncadd.s32 $0xFFFFE000  }
0x30: {  	[hbm4b:s20+s2] =	stream.linear.scatter [tilespmem:s12], [sflag:$0x3], $0x2000, $0x38;
	[tilespmem:$0x5000] =	vst v63  }
0x31: {  	_ =	swait.ge [sflag:s9], $0x2000  }
0x32: {  	s17 =	sadd.s32 $0x100, s17;
	[sflag:s9] =	ssyncset.done $0x0  }
0x33: {  	s19 =	sadd.s32 $0xFFFFFF80, s17;
	[sflag:s9] =	ssyncadd.s32 $0xFFFFE000  }
0x34: {  	[tilespmem:s12], [sflag:$0x2] =	stream.indirect.gather [hbm4b:s3+s10], $0x40, s19, s10, $0xb8;
	[tilespmem:$0x5000] =	vst v63  }
0x35: {  	_ =	swait.ge [sflag:s13], $0x2000  }
0x36: {  	[sflag:s13] =	ssyncset.done $0x0  }
0x37: {  	s18 =	sadd.s32 s18, s8;
	[sflag:s13] =	ssyncadd.s32 $0xFFFFE000  }
0x38: {  	[hbm4b:s18+s2] =	stream.linear.scatter [tilespmem:s11], [sflag:$0x3], $0x2000, $0x38;
	[tilespmem:$0x5000] =	vst v63  }
0x39: {  	_ =	swait.ge [sflag:s9], $0x2000  }
0x3a: {  	[sflag:s9] =	ssyncset.done $0x0  }
0x3b: {  	[sflag:s9] =	ssyncadd.s32 $0xFFFFE000  }
0x3c: {  	[tilespmem:s11], [sflag:$0x1] =	stream.indirect.gather [hbm4b:s3+s10], $0x40, s17, s10, $0xb8;
	[tilespmem:$0x5000] =	vst v63  }
0x3d: {  	_ =	swait.ge [sflag:s14], $0x2000  }
0x3e: {  	[sflag:s14] =	ssyncset.done $0x0  }
0x3f: {  	s31 =	sadd.s32 $0x400, s18;
	[sflag:s14] =	ssyncadd.s32 $0xFFFFE000  }
0x40: {  	[hbm4b:s31+s2] =	stream.linear.scatter [tilespmem:s12], [sflag:$0x3], $0x2000, $0x38;
	[tilespmem:$0x5000] =	vst v63  }
0x41: {  	_ =	swait.ge [sflag:s9], $0x2000  }
0x42: {  	[sflag:s9] =	ssyncset.done $0x0  }
0x43: {  	[sflag:s9] =	ssyncadd.s32 $0xFFFFE000  }
0x44: {  	[tilespmem:s12], [sflag:$0x2] =	stream.indirect.gather [hbm4b:s3+s10], $0x40, s15, s10, $0xb8;
	[tilespmem:$0x5000] =	vst v63  }
0x45: {  	_ =	swait.ge [sflag:s13], $0x2000  }
0x46: {  	[sflag:s13] =	ssyncset.done $0x0  }
0x47: {  	[sflag:s13] =	ssyncadd.s32 $0xFFFFE000  }
0x48: {  	[hbm4b:s6+s2] =	stream.linear.scatter [tilespmem:s11], [sflag:$0x3], $0x2000, $0x38;
	[tilespmem:$0x5000] =	vst v63  }
0x49: {  	_ =	swait.ge [sflag:s9], $0x2000  }
0x4a: {  	[sflag:s9] =	ssyncset.done $0x0  }
0x4b: {  	[sflag:s9] =	ssyncadd.s32 $0xFFFFE000  }
0x4c: {  	s16 =	sadd.s32 $0x1, s16;
	_ =	swait.ge [sflag:s14], $0x2000  }
0x4d: {  	p0 =	sne.s32 s16, s5;
	[sflag:s14] =	ssyncset.done $0x0  }
.Ltmp1:
0x4e: {  	[sflag:s14] =	ssyncadd.s32 $0xFFFFE000;
	(pc) =	sbr.rel @p0 .LBB2_1-.Ltmp1, $4  }
0x4f: {  	[hbm4b:s7+s2] =	stream.linear.scatter [tilespmem:s12], [sflag:$0x3], $0x2000, $0x38;
	[tilespmem:$0x5000] =	vst v63  }
0x50: {  	_ =	swait.ge [sflag:s9], $0x2000  }
0x51: {  	[sflag:s9] =	ssyncset.done $0x0  }
0x52: {  	[sflag:s9] =	ssyncadd.s32 $0xFFFFE000  }
0x53: {  	_ =	sfence.sel $0x180000  }
0x54: {  	[bflag:$0x0] =	sbarrier.arrive $0xFFFF  }
0x55: {  	p0 =	sne.s32 s1, $0x0;
	_ =	strace $0x90000047  }
0x56: {  	s0 =	sadd.s32 @!p0 $0x100000, s0;
	[bflag:$0x2] =	sbarrier.arrive $0xFFFF  }
0x57: {  	[sflag:s0] =	ssyncadd.tile.s32 @!p0 $0x1;
	_ =	shalt  }
.Lfunc_end2:
_tile_overlayer_lowered:
.L_overlay_start_2:
0x58: {  	(tag) =	ssettag $0x2  }
0x59: {  	s0 =	rddreg [dreg:$0x0];
	s2 =	stileid.u32  }
0x5a: {  	s1 =	rddreg [dreg:$0x1];
	p0 =	sne.s32 s2, $0x0  }
0x5b: {  	s3 =	rddreg [dreg:$0x2];
	[bflag:$0x3] =	sbarrier.arrive $0xFFFF;
	s2 =	simm.s32 @!p0 $0x1C03  }
0x5c: {  	[timem:s3], [sflag:s2] =	dma.local @!p0 [hbm:s0], s1  }
0x5d: {  	s0 =	simm.s32 @!p0 $0x3  }
0x5e: {  	_ =	swait.ge @!p0 [sflag:s0], s1  }
0x5f: {  	s1 =	ssub.s32 @!p0 $0x0, s1;
	[sflag:s0] =	ssyncset.done @!p0 $0x0  }
0x60: {  	[sflag:s0] =	ssyncadd.s32 @!p0 s1  }
0x61: {  	[bflag:$0x3] =	sbarrier.arrive $0xFFFF  }
0x62: {  	_ =	shalt  }

</sc_bundles>
